<compile_context>
chip_gen: v7x
topology: tpu7x:2x2x1
jax: 0.10.2.dev20260603
libtpu: 0.0.44.dev20260713+nightly
codegen_flags: <defaults>
</compile_context>

<pallas_src>
import functools

import jax
import jax.numpy as jnp
from jax.experimental import pallas as pl
from jax.experimental.pallas import tpu as pltpu

_TOPK = 128
_ROWS_PER_BLOCK = 1024


def _topk_mask_kernel(xt_ref, o_ref, keyt_ref, *, k):
    xt = xt_ref[...]
    rows = xt.shape[1]
    bt = jax.lax.bitcast_convert_type(xt, jnp.int32)
    keyt_ref[...] = bt ^ jnp.where(bt < 0, jnp.int32(0x7FFFFFFF), jnp.int32(0))
    lo0 = jnp.full((1, rows), jnp.iinfo(jnp.int32).min, jnp.int32)
    hi0 = jnp.full((1, rows), jnp.iinfo(jnp.int32).max, jnp.int32)

    def body(_, carry):
        lo, hi = carry
        mid = (lo >> 1) + (hi >> 1) + (lo & hi & jnp.int32(1))
        cnt = jnp.sum(
            (keyt_ref[...] >= mid).astype(jnp.int32), axis=0, keepdims=True
        )
        ge = cnt >= k
        return jnp.where(ge, mid, lo), jnp.where(ge, hi, mid)

    lo, _ = jax.lax.fori_loop(0, 32, body, (lo0, hi0), unroll=4)
    o_ref[...] = jnp.where(keyt_ref[...] >= lo, xt, jnp.float32(0))


def kernel(x):
    n, c, h, w = x.shape
    rows = n * c
    hw = h * w
    xt = x.reshape(rows, hw).T
    out = pl.pallas_call(
        functools.partial(_topk_mask_kernel, k=_TOPK),
        grid=(rows // _ROWS_PER_BLOCK,),
        in_specs=[pl.BlockSpec((hw, _ROWS_PER_BLOCK), lambda i: (0, i))],
        out_specs=pl.BlockSpec((hw, _ROWS_PER_BLOCK), lambda i: (0, i)),
        out_shape=jax.ShapeDtypeStruct((hw, rows), x.dtype),
        scratch_shapes=[pltpu.VMEM((hw, _ROWS_PER_BLOCK), jnp.int32)],
    )(xt)
    return out.T.reshape(n, c, h, w)

# --- scband reference (transcript-rebuilt; emitter-appended) ---
"""Pipeline reference for scband-sparsify-hw-16716012716142 (READ-ONLY COPY).

The authoritative reference and input builder live on the scoring server;
editing this copy changes nothing except your own understanding.
"""

import jax, jax.numpy as jnp
import numpy as np

TOPK = 128

def setup_inputs(seed: int = 0) -> dict:
    key = jax.random.key(seed)
    x = jax.random.normal(key, (64, 384, 24, 24), dtype=jnp.float32)
    return {"x": x}

def reference(x):
    n, c, h, w = x.shape
    x_reshape = x.reshape(n, c, h * w)
    # top-k over the flattened spatial dimension
    _, index = jax.lax.top_k(x_reshape, TOPK)
    # scatter 1.0 into a zero mask at the top-k positions along dim 2
    bi = jnp.arange(n)[:, None, None]
    ci = jnp.arange(c)[None, :, None]
    mask = jnp.zeros_like(x_reshape).at[bi, ci, index].set(1.0)
    sparse_x = mask * x_reshape
    return sparse_x.reshape(n, c, h, w)

if __name__ == "__main__":
    import jax
    _d = setup_inputs()
    print(jax.jit(kernel)(*tuple(_d.values())))

</pallas_src>

<mosaic_0001>
module attributes {stable_mosaic.version = 14 : i64} {
  func.func @_topk_mask_kernel(%arg0: i32, %arg1: memref<576x1024xf32, #tpu.memory_space<vmem>>, %arg2: memref<576x1024xf32, #tpu.memory_space<vmem>>, %arg3: memref<576x1024xi32, #tpu.memory_space<vmem>>) attributes {dimension_semantics = [#tpu.dimension_semantics<arbitrary>], iteration_bounds = array<i64: 24>, scalar_prefetch = 0 : i64, scratch_operands = 1 : i64, tpu.core_type = #tpu.core_type<tc>, window_params = [{transform_indices = @transform_0, window_bounds = array<i64: 576, 1024>}, {transform_indices = @transform_1, window_bounds = array<i64: 576, 1024>}]} {
    %get3A = arith.constant 0 : index
    %get3A_0 = arith.constant 0 : index
    %get3A_1 = vector.load %arg1[%get3A, %get3A_0] : memref<576x1024xf32, #tpu.memory_space<vmem>>, vector<576x1024xf32>
    %bitcast_convert_type3A = tpu.bitcast %get3A_1 : vector<576x1024xf32> -> vector<576x1024xi32>
    %lt3A = arith.constant 0 : i32
    %lt3A_2 = vector.broadcast %lt3A : i32 to vector<576x1024xi32>
    %lt3A_3 = arith.cmpi slt, %bitcast_convert_type3A, %lt3A_2 : vector<576x1024xi32>
    %jit3A = arith.constant 2147483647 : i32
    %jit3A_4 = arith.constant 0 : i32
    %broadcast_in_dim3A = vector.broadcast %jit3A : i32 to vector<576x1024xi32>
    %broadcast_in_dim3A_5 = vector.broadcast %jit3A_4 : i32 to vector<576x1024xi32>
    %select_n3A = arith.select %lt3A_3, %broadcast_in_dim3A, %broadcast_in_dim3A_5 : vector<576x1024xi1>, vector<576x1024xi32>
    %xor3A = arith.xori %bitcast_convert_type3A, %select_n3A : vector<576x1024xi32>
    %swap3A = arith.constant 0 : index
    %swap3A_6 = arith.constant 0 : index
    %swap3A_7 = vector.load %arg3[%swap3A, %swap3A_6] : memref<576x1024xi32, #tpu.memory_space<vmem>>, vector<576x1024xi32>
    tpu.vector_store %arg3[%swap3A, %swap3A_6], %xor3A {strides = array<i32>} : memref<576x1024xi32, #tpu.memory_space<vmem>>, vector<576x1024xi32>,
    %broadcast_in_dim3A_8 = arith.constant -2147483648 : i32
    %broadcast_in_dim3A_9 = vector.broadcast %broadcast_in_dim3A_8 : i32 to vector<1x1024xi32>
    %broadcast_in_dim3A_10 = arith.constant 2147483647 : i32
    %broadcast_in_dim3A_11 = vector.broadcast %broadcast_in_dim3A_10 : i32 to vector<1x1024xi32>
    %scan3A = arith.constant 0 : i32
    %scan3A_12 = arith.constant 32 : i32
    %scan3A_13 = arith.addi %scan3A, %scan3A_12 : i32
    %scan3A_14 = arith.constant 4 : i32
    %scan3A_15:2 = scf.for %scan3A_26 = %scan3A to %scan3A_13 step %scan3A_14 iter_args(%scan3A_27 = %broadcast_in_dim3A_9, %scan3A_28 = %broadcast_in_dim3A_11) -> (vector<1x1024xi32>, vector<1x1024xi32>)  : i32 {
      %shift_right_arithmetic3A = arith.constant 1 : i32
      %shift_right_arithmetic3A_29 = vector.broadcast %shift_right_arithmetic3A : i32 to vector<1x1024xi32>
      %shift_right_arithmetic3A_30 = arith.shrsi %scan3A_27, %shift_right_arithmetic3A_29 : vector<1x1024xi32>
      %shift_right_arithmetic3A_31 = arith.constant 1 : i32
      %shift_right_arithmetic3A_32 = vector.broadcast %shift_right_arithmetic3A_31 : i32 to vector<1x1024xi32>
      %shift_right_arithmetic3A_33 = arith.shrsi %scan3A_28, %shift_right_arithmetic3A_32 : vector<1x1024xi32>
      %add3A = arith.addi %shift_right_arithmetic3A_30, %shift_right_arithmetic3A_33 : vector<1x1024xi32>
      %and3A = arith.andi %scan3A_27, %scan3A_28 : vector<1x1024xi32>
      %and3A_34 = arith.constant 1 : i32
      %and3A_35 = vector.broadcast %and3A_34 : i32 to vector<1x1024xi32>
      %and3A_36 = arith.andi %and3A, %and3A_35 : vector<1x1024xi32>
      %add3A_37 = arith.addi %add3A, %and3A_36 : vector<1x1024xi32>
      %get3A_38 = arith.constant 0 : index
      %get3A_39 = arith.constant 0 : index
      %get3A_40 = vector.load %arg3[%get3A_38, %get3A_39] : memref<576x1024xi32, #tpu.memory_space<vmem>>, vector<576x1024xi32>
      %ge3A_41 = vector.broadcast %add3A_37 : vector<1x1024xi32> to vector<576x1024xi32>
      %ge3A_42 = arith.cmpi sge, %get3A_40, %ge3A_41 : vector<576x1024xi32>
      %convert_element_type3A = arith.extui %ge3A_42 : vector<576x1024xi1> to vector<576x1024xi32>
      %reduce_sum3A = arith.constant dense<0> : vector<1024xi32>
      %reduce_sum3A_43 = vector.multi_reduction <add>, %convert_element_type3A, %reduce_sum3A [0] : vector<576x1024xi32> to vector<1024xi32>
      %broadcast_in_dim3A_44 = vector.shape_cast %reduce_sum3A_43 : vector<1024xi32> to vector<1x1024xi32>
      %ge3A_45 = arith.constant 128 : i32
      %ge3A_46 = vector.broadcast %ge3A_45 : i32 to vector<1x1024xi32>
      %ge3A_47 = arith.cmpi sge, %broadcast_in_dim3A_44, %ge3A_46 : vector<1x1024xi32>
      %select_n3A_48 = arith.select %ge3A_47, %add3A_37, %scan3A_27 : vector<1x1024xi1>, vector<1x1024xi32>
      %select_n3A_49 = arith.select %ge3A_47, %scan3A_28, %add3A_37 : vector<1x1024xi1>, vector<1x1024xi32>
      %scan3A_50 = arith.constant 1 : i32
      %scan3A_51 = arith.addi %scan3A_26, %scan3A_50 : i32
      %shift_right_arithmetic3A_52 = arith.constant 1 : i32
      %shift_right_arithmetic3A_53 = vector.broadcast %shift_right_arithmetic3A_52 : i32 to vector<1x1024xi32>
      %shift_right_arithmetic3A_54 = arith.shrsi %select_n3A_48, %shift_right_arithmetic3A_53 : vector<1x1024xi32>
      %shift_right_arithmetic3A_55 = arith.constant 1 : i32
      %shift_right_arithmetic3A_56 = vector.broadcast %shift_right_arithmetic3A_55 : i32 to vector<1x1024xi32>
      %shift_right_arithmetic3A_57 = arith.shrsi %select_n3A_49, %shift_right_arithmetic3A_56 : vector<1x1024xi32>
      %add3A_58 = arith.addi %shift_right_arithmetic3A_54, %shift_right_arithmetic3A_57 : vector<1x1024xi32>
      %and3A_59 = arith.andi %select_n3A_48, %select_n3A_49 : vector<1x1024xi32>
      %and3A_60 = arith.constant 1 : i32
      %and3A_61 = vector.broadcast %and3A_60 : i32 to vector<1x1024xi32>
      %and3A_62 = arith.andi %and3A_59, %and3A_61 : vector<1x1024xi32>
      %add3A_63 = arith.addi %add3A_58, %and3A_62 : vector<1x1024xi32>
      %get3A_64 = arith.constant 0 : index
      %get3A_65 = arith.constant 0 : index
      %get3A_66 = vector.load %arg3[%get3A_64, %get3A_65] : memref<576x1024xi32, #tpu.memory_space<vmem>>, vector<576x1024xi32>
      %ge3A_67 = vector.broadcast %add3A_63 : vector<1x1024xi32> to vector<576x1024xi32>
      %ge3A_68 = arith.cmpi sge, %get3A_66, %ge3A_67 : vector<576x1024xi32>
      %convert_element_type3A_69 = arith.extui %ge3A_68 : vector<576x1024xi1> to vector<576x1024xi32>
      %reduce_sum3A_70 = arith.constant dense<0> : vector<1024xi32>
      %reduce_sum3A_71 = vector.multi_reduction <add>, %convert_element_type3A_69, %reduce_sum3A_70 [0] : vector<576x1024xi32> to vector<1024xi32>
      %broadcast_in_dim3A_72 = vector.shape_cast %reduce_sum3A_71 : vector<1024xi32> to vector<1x1024xi32>
      %ge3A_73 = arith.constant 128 : i32
      %ge3A_74 = vector.broadcast %ge3A_73 : i32 to vector<1x1024xi32>
      %ge3A_75 = arith.cmpi sge, %broadcast_in_dim3A_72, %ge3A_74 : vector<1x1024xi32>
      %select_n3A_76 = arith.select %ge3A_75, %add3A_63, %select_n3A_48 : vector<1x1024xi1>, vector<1x1024xi32>
      %select_n3A_77 = arith.select %ge3A_75, %select_n3A_49, %add3A_63 : vector<1x1024xi1>, vector<1x1024xi32>
      %scan3A_78 = arith.constant 2 : i32
      %scan3A_79 = arith.addi %scan3A_26, %scan3A_78 : i32
      %shift_right_arithmetic3A_80 = arith.constant 1 : i32
      %shift_right_arithmetic3A_81 = vector.broadcast %shift_right_arithmetic3A_80 : i32 to vector<1x1024xi32>
      %shift_right_arithmetic3A_82 = arith.shrsi %select_n3A_76, %shift_right_arithmetic3A_81 : vector<1x1024xi32>
      %shift_right_arithmetic3A_83 = arith.constant 1 : i32
      %shift_right_arithmetic3A_84 = vector.broadcast %shift_right_arithmetic3A_83 : i32 to vector<1x1024xi32>
      %shift_right_arithmetic3A_85 = arith.shrsi %select_n3A_77, %shift_right_arithmetic3A_84 : vector<1x1024xi32>
      %add3A_86 = arith.addi %shift_right_arithmetic3A_82, %shift_right_arithmetic3A_85 : vector<1x1024xi32>
      %and3A_87 = arith.andi %select_n3A_76, %select_n3A_77 : vector<1x1024xi32>
      %and3A_88 = arith.constant 1 : i32
      %and3A_89 = vector.broadcast %and3A_88 : i32 to vector<1x1024xi32>
      %and3A_90 = arith.andi %and3A_87, %and3A_89 : vector<1x1024xi32>
      %add3A_91 = arith.addi %add3A_86, %and3A_90 : vector<1x1024xi32>
      %get3A_92 = arith.constant 0 : index
      %get3A_93 = arith.constant 0 : index
      %get3A_94 = vector.load %arg3[%get3A_92, %get3A_93] : memref<576x1024xi32, #tpu.memory_space<vmem>>, vector<576x1024xi32>
      %ge3A_95 = vector.broadcast %add3A_91 : vector<1x1024xi32> to vector<576x1024xi32>
      %ge3A_96 = arith.cmpi sge, %get3A_94, %ge3A_95 : vector<576x1024xi32>
      %convert_element_type3A_97 = arith.extui %ge3A_96 : vector<576x1024xi1> to vector<576x1024xi32>
      %reduce_sum3A_98 = arith.constant dense<0> : vector<1024xi32>
      %reduce_sum3A_99 = vector.multi_reduction <add>, %convert_element_type3A_97, %reduce_sum3A_98 [0] : vector<576x1024xi32> to vector<1024xi32>
      %broadcast_in_dim3A_100 = vector.shape_cast %reduce_sum3A_99 : vector<1024xi32> to vector<1x1024xi32>
      %ge3A_101 = arith.constant 128 : i32
      %ge3A_102 = vector.broadcast %ge3A_101 : i32 to vector<1x1024xi32>
      %ge3A_103 = arith.cmpi sge, %broadcast_in_dim3A_100, %ge3A_102 : vector<1x1024xi32>
      %select_n3A_104 = arith.select %ge3A_103, %add3A_91, %select_n3A_76 : vector<1x1024xi1>, vector<1x1024xi32>
      %select_n3A_105 = arith.select %ge3A_103, %select_n3A_77, %add3A_91 : vector<1x1024xi1>, vector<1x1024xi32>
      %scan3A_106 = arith.constant 3 : i32
      %scan3A_107 = arith.addi %scan3A_26, %scan3A_106 : i32
      %shift_right_arithmetic3A_108 = arith.constant 1 : i32
      %shift_right_arithmetic3A_109 = vector.broadcast %shift_right_arithmetic3A_108 : i32 to vector<1x1024xi32>
      %shift_right_arithmetic3A_110 = arith.shrsi %select_n3A_104, %shift_right_arithmetic3A_109 : vector<1x1024xi32>
      %shift_right_arithmetic3A_111 = arith.constant 1 : i32
      %shift_right_arithmetic3A_112 = vector.broadcast %shift_right_arithmetic3A_111 : i32 to vector<1x1024xi32>
      %shift_right_arithmetic3A_113 = arith.shrsi %select_n3A_105, %shift_right_arithmetic3A_112 : vector<1x1024xi32>
      %add3A_114 = arith.addi %shift_right_arithmetic3A_110, %shift_right_arithmetic3A_113 : vector<1x1024xi32>
      %and3A_115 = arith.andi %select_n3A_104, %select_n3A_105 : vector<1x1024xi32>
      %and3A_116 = arith.constant 1 : i32
      %and3A_117 = vector.broadcast %and3A_116 : i32 to vector<1x1024xi32>
      %and3A_118 = arith.andi %and3A_115, %and3A_117 : vector<1x1024xi32>
      %add3A_119 = arith.addi %add3A_114, %and3A_118 : vector<1x1024xi32>
      %get3A_120 = arith.constant 0 : index
      %get3A_121 = arith.constant 0 : index
      %get3A_122 = vector.load %arg3[%get3A_120, %get3A_121] : memref<576x1024xi32, #tpu.memory_space<vmem>>, vector<576x1024xi32>
      %ge3A_123 = vector.broadcast %add3A_119 : vector<1x1024xi32> to vector<576x1024xi32>
      %ge3A_124 = arith.cmpi sge, %get3A_122, %ge3A_123 : vector<576x1024xi32>
      %convert_element_type3A_125 = arith.extui %ge3A_124 : vector<576x1024xi1> to vector<576x1024xi32>
      %reduce_sum3A_126 = arith.constant dense<0> : vector<1024xi32>
      %reduce_sum3A_127 = vector.multi_reduction <add>, %convert_element_type3A_125, %reduce_sum3A_126 [0] : vector<576x1024xi32> to vector<1024xi32>
      %broadcast_in_dim3A_128 = vector.shape_cast %reduce_sum3A_127 : vector<1024xi32> to vector<1x1024xi32>
      %ge3A_129 = arith.constant 128 : i32
      %ge3A_130 = vector.broadcast %ge3A_129 : i32 to vector<1x1024xi32>
      %ge3A_131 = arith.cmpi sge, %broadcast_in_dim3A_128, %ge3A_130 : vector<1x1024xi32>
      %select_n3A_132 = arith.select %ge3A_131, %add3A_119, %select_n3A_104 : vector<1x1024xi1>, vector<1x1024xi32>
      %select_n3A_133 = arith.select %ge3A_131, %select_n3A_105, %add3A_119 : vector<1x1024xi1>, vector<1x1024xi32>
      scf.yield %select_n3A_132, %select_n3A_133 : vector<1x1024xi32>, vector<1x1024xi32>
    }
    %get3A_16 = arith.constant 0 : index
    %get3A_17 = arith.constant 0 : index
    %get3A_18 = vector.load %arg3[%get3A_16, %get3A_17] : memref<576x1024xi32, #tpu.memory_space<vmem>>, vector<576x1024xi32>
    %ge3A = vector.broadcast %scan3A_15#0 : vector<1x1024xi32> to vector<576x1024xi32>
    %ge3A_19 = arith.cmpi sge, %get3A_18, %ge3A : vector<576x1024xi32>
    %jit3A_20 = arith.constant 0.000000e+00 : f32
    %broadcast_in_dim3A_21 = vector.broadcast %jit3A_20 : f32 to vector<576x1024xf32>
    %select_n3A_22 = arith.select %ge3A_19, %get3A_1, %broadcast_in_dim3A_21 : vector<576x1024xi1>, vector<576x1024xf32>
    %swap3A_23 = arith.constant 0 : index
    %swap3A_24 = arith.constant 0 : index
    %swap3A_25 = vector.load %arg2[%swap3A_23, %swap3A_24] : memref<576x1024xf32, #tpu.memory_space<vmem>>, vector<576x1024xf32>
    tpu.vector_store %arg2[%swap3A_23, %swap3A_24], %select_n3A_22 {strides = array<i32>} : memref<576x1024xf32, #tpu.memory_space<vmem>>, vector<576x1024xf32>,
    return
  }
  func.func @transform_0(%arg0: i32) -> (i32, i32) {
    %c0_i32 = arith.constant 0 : i32
    %c0_i32_0 = arith.constant 0 : i32
    return %c0_i32, %arg0 : i32, i32
  }
  func.func @transform_1(%arg0: i32) -> (i32, i32) {
    %c0_i32 = arith.constant 0 : i32
    %c0_i32_0 = arith.constant 0 : i32
    return %c0_i32, %arg0 : i32, i32
  }
}

</mosaic_0001>

<sc_bundles>
// kernel: sparse-core-data-format-call.1.cloned.1.call-start
scs
called_computation.1_lowered:
.L_overlay_start_0:
0x0: {  	s2 =	sld [smem:$0x3FD9]  }
0x1: {  	s3 =	sld [smem:$0x3FFE];
	_ =	sdelay $0x1  }
0x2: {  	s1 =	srdreg.scid  }
0x3: {  	s0 =	sand.u32 $0x1, s1  }
0x4: {  	s18 =	sshll.u32 s0, $0xA;
	s2 =	sadd.s32 s3, s2  }
0x5: {  	s2 =	sadd.s32 s2, s18  }
0x6: {  	[smem:$0x3FC7] =	sst s2  }
0x7: {  	_ = 	snop  }
0x8: {  	s2 =	sld [smem:$0x3FD0];
	(tm) =	ssettm $0x1  }
0x9: {  	s19 =	sld [smem:$0x3FFB];
	_ =	sdelay $0x3  }
0xa: {  	_ =	strace s19  }
0xb: {  	s3 =	sld [smem:$0x3FFC];
	_ =	sdelay $0x3  }
0xc: {  	_ =	strace s3  }
0xd: {  	s3 =	sld [smem:$0x3FFD];
	_ =	sdelay $0x3  }
0xe: {  	_ =	strace s3  }
0xf: {  	_ =	strace $0x8FFFFFFF  }
0x10: {  	s20 =	sld [smem:$0x3FDB];
	_ =	sdelay $0x1  }
0x11: {  	s4 =	simm.s32 $_scs_section_size  }
0x12: {  	s5 =	simm.s32 $_size__tile_overlayer_lowered;
	s6 =	simm.s32 $_tile_overlayer_lowered  }
0x13: {  	s23 =	simm.s32 $0x1BFF;
	s22 =	sshll.u32 s6, $0x1;
	s3 =	sadd.s32 s4, s20  }
0x14: {  	s7 =	simm.s32 $0x0;
	s21 =	sshll.u32 s5, $0x1;
	s5 =	sadd.s32 s22, s3  }
0x15: {  	[timem:s7], [sflag:s23] =	dma.local [hbm:s5], s21  }
0x16: {  	_ =	swait.ge [sflag:s23], s21  }
0x17: {  	s4 =	ssub.s32 $0x0, s21;
	[sflag:s23] =	ssyncset.done $0x0  }
0x18: {  	[sflag:s23] =	ssyncadd.s32 s4;
	_ =	sdelay $0x1  }
0x19: {  	s24 =	simm.s32 $0x1B8B  }
0x1a: {  	_ =	swait.ge [sflag:s24], $0x1  }
0x1b: {  	[sflag:s24] =	ssyncset.done $0x0  }
0x1c: {  	s26 =	simm.s32 $0x1B8E;
	s25 =	sld [smem:$0x3FFE];
	[sflag:s24] =	ssyncadd.s32 $0xFFFFFFFF  }
0x1d: {  	s27 =	simm.s32 $execute0_lowered;
	[smem:$0x3FD2] =	sst s26  }
0x1e: {  	s5 =	sshll.u32 s27, $0x1;
	_ =	strace $0x80000049;
	[dreg:$0x1] =	wrdreg $0xFFFFFFFF  }
0x1f: {  	s28 =	simm.s32 $_size_execute0_lowered;
	s3 =	sadd.s32 s3, s5;
	[dreg:$0x0] =	wrdreg $0x0  }
0x20: {  	s5 =	sshll.u32 s28, $0x1;
	[dreg:$0x2] =	wrdreg s3  }
0x21: {  	[dreg:$0x3] =	wrdreg s5  }
0x22: {  	[dreg:$0x4] =	wrdreg $0xC0  }
0x23: {  	_ =	task [dreg:s7], $0x5FFFF  }
0x24: {  	[dreg:$0x1] =	wrdreg $0xFFFFFFFF  }
0x25: {  	[dreg:$0x0] =	wrdreg $0x60  }
0x26: {  	[dreg:$0x2] =	wrdreg s2  }
0x27: {  	[dreg:$0x3] =	wrdreg s25  }
0x28: {  	[dreg:$0x4] =	wrdreg $0x9  }
0x29: {  	_ =	task.clear_ibuf [dreg:s7], $0x5FFFF;
	_ =	strace $0x90000049  }
0x2a: {  	s29 =	simm.s32 $0x9;
	_ =	strace $0x8000004B  }
0x2b: {  	_ =	swait.ge [sflag:s29], $0x1  }
0x2c: {  	[sflag:s29] =	ssyncadd.s32 $0xFFFFFFFF  }
0x2d: {  	_ =	strace $0x9000004B  }
0x2e: {  	_ =	sfence  }
0x2f: {  	s30 =	sld [smem:$0x0];
	_ =	sdelay $0x2  }
0x30: {  	s31 =	sshll.u32 s1, $0xD;
	s1 =	sshrl.u32 s1, $0x2  }
0x31: {  	s3 =	sand.u32 $0x4000, s31;
	s1 =	sadd.s32 s1, s30  }
0x32: {  	s0 =	sor.u32 s3, s0;
	s1 =	sshll.u32 s1, $0x11  }
0x33: {  	s0 =	sor.u32 s1, s0  }
0x34: {  	s0 =	sadd.s32 $0x8F2B, s0  }
0x35: {  	[sflag:s0] =	ssyncadd.remote.s32 $0x1  }
0x36: {  	_ =	sfence.sel $0xFFFF  }
0x37: {  	[dreg:$0x0] =	wrdreg $0xFFFFFFFF;
	(pc) =	sbr.abs _section_cstart, $3  }
0x38: {  	[dreg:$0x1] =	wrdreg $0xFFFFFFFF  }
0x39: {  	_ =	task.clear_ibuf [dreg:s7], $0x2FFFF;
	_ =	strace $0x9FFFFFFF  }
0x3a: {  	(tm) =	ssettm $0x7FFFFFFF  }
0x3b: {  	_ =	shalt  }
tec
execute0_lowered:
.L_overlay_start_1:
0x0: {  	(tag) =	ssettag $0x1  }
0x1: {  	s1 =	srdreg.scid  }
0x2: {  	s0 =	stileid.u32;
	s3 =	rddreg [dreg:$0x0];
	s1 =	sshll.u32 s1, $0x4  }
0x3: {  	s6 =	rddreg [dreg:$0x1];
	s1 =	sor.u32 s0, s1  }
0x4: {  	s5 =	simm.s32 $0x1;
	s8 =	simm.s32 $0x2;
	s1 =	sshrl.u32 s1, $0x2  }
0x5: {  	s17 =	simm.s32 $0x0;
	s9 =	simm.s32 $0xC00;
	s2 =	sand.u32 $0x6, s1  }
0x6: {  	s15 =	simm.s32 $0x0;
	s18 =	simm.s32 $0x0;
	s4 =	ssub.s32 $0x8, s2  }
0x7: {  	s16 =	simm.s32 $0x0;
	s10 =	simm.s32 $0x0;
	s31 =	sand.u32 $0x6, s4  }
0x8: {  	s12 =	simm.s32 $0x0;
	s14 =	simm.s32 $0x0;
	p0 =	sne.s32 s31, $0x0  }
.Ltmp0:
0x9: {  	s7 =	sshrl.u32 s4, $0x3;
	s5 =	simm.s32 @!p0 $0x0;
	(pc) =	sbr.rel .LBB1_1-.Ltmp0, $4  }
0xa: {  	s6 =	sadd.s32 $0xC00, s6;
	s1 =	rddreg [dreg:$0x2];
	s5 =	sadd.s32 s5, s7  }
0xb: {  	_ =	strace $0x8000004A;
	s4 =	simm.s32 $0x1;
	s5 =	smul.u32 $0x1B, s5  }
0xc: {  	s11 =	smov.u32 s2;
	[sflag:s4] =	ssyncpa.u1 $0x0;
	s7 =	sand.u32 $0x7, s0  }
0xd: {  	[sflag:s8] =	ssyncpa.u1 $0x0;
	s13 =	smov.u32 s7;
	s8 =	sadd.s32 $0x1, s5  }
.LBB1_7:
0xe: {  	s19 =	sadd.s32 $0x80, s10  }
0xf: {  	s15 =	sadd.s32 $0x8, s11;
	s20 =	smov.u32 s11;
	p1 =	sgt.s32 s19, $0x17F  }
0x10: {  	s20 =	smov.u32 @p1 s15  }
0x11: {  	s21 =	smov.u32 s12;
	s15 =	sadd.s32 $0x40, s12;
	p2 =	sgt.s32 s20, $0x7  }
0x12: {  	s21 =	smov.u32 @p2 s15  }
0x13: {  	s22 =	smov.u32 s13;
	s15 =	sadd.s32 $0x8, s13;
	p3 =	sgt.s32 s21, $0x3F  }
0x14: {  	s22 =	smov.u32 @p3 s15  }
0x15: {  	p0 =	slt.u32 s14, $0x2;
	s19 =	simm.s32 @p1 $0x0;
	p1 =	sgt.s32 s22, $0x47  }
0x16: {  	s23 =	simm.s32 @!p0 $0x2;
	s22 =	smov.u32 @p1 s7;
	p1 =	sne.s32 s14, s8  }
.Ltmp1:
0x17: {  	s17 =	smov.u32 s10;
	_ =	swait.ge @!p0 [sflag:s23], $0x4000;
	(pc) =	sbr.rel @!p1 .LBB1_8-.Ltmp1, $4  }
0x18: {  	s18 =	smov.u32 s12;
	s16 =	smov.u32 s13;
	[sflag:s23] =	ssyncset.done @!p0 $0x0  }
0x19: {  	s10 =	smov.u32 s19;
	s20 =	smov.u32 @p2 s2;
	[sflag:s23] =	ssyncadd.s32 @!p0 $0xFFFFC000  }
0x1a: {  	s21 =	simm.s32 @p3 $0x0;
	s15 =	smov.u32 s11;
	s11 =	smov.u32 s20  }
0x1b: {  	s12 =	smov.u32 s21;
	s14 =	sadd.s32 $0x1, s14;
	s13 =	smov.u32 s22  }
.LBB1_1:
0x1c: {  	p0 =	sge.u32 s14, s5  }
0x1d: {  	s19 =	sshrl.u32 @!p0 s11, $0x3  }
0x1e: {  	s20 =	sshll.u32 @!p0 s10, $0x3;
	s19 =	smul.u32 @!p0 $0xC00, s19  }
0x1f: {  	s21 =	sshll.u32 @!p0 s11, $0x7;
	s20 =	sand.u32 @!p0 $0xFFFFFC00, s20  }
0x20: {  	s19 =	sadd.s32 @!p0 s19, s20;
	s20 =	sand.u32 @!p0 $0x380, s21  }
0x21: {  	s21 =	sand.u32 @!p0 $0x7F, s10;
	s19 =	sor.u32 @!p0 s20, s19  }
0x22: {  	s20 =	sor.u32 @!p0 s21, s19  }
0x23: {  	s21 =	smulhi.u32 @!p0 $0xAAAAAAAB, s20  }
0x24: {  	s19 =	smulhi.u32 @!p0 $0xAAAAAAAB, s19  }
0x25: {  	s31 =	sadd.s32 $0xFFFFFFFF, s14;
	s23 =	smul.u32 @!p0 $0x6000, s13;
	s21 =	sshrl.u32 @!p0 s21, $0x8  }
0x26: {  	s22 =	sxor.u32 @!p0 $0xFFFFFFFF, s14;
	s19 =	sshrl.u32 @!p0 s19, $0x8;
	s21 =	smul.u32 @!p0 $0x180, s21  }
0x27: {  	s24 =	smul.u32 @!p0 $0x180, s12;
	s22 =	sshll.u32 @!p0 s22, $0xE;
	s19 =	sand.u32 @!p0 $0x7, s19  }
0x28: {  	s19 =	smul.u32 @!p0 $0x30, s19;
	s20 =	ssub.s32 @!p0 s20, s21;
	s21 =	sadd.s32 @!p0 s3, s23  }
0x29: {  	s22 =	sand.u32 @!p0 $0x4000, s22;
	s21 =	sadd.s32 @!p0 s24, s21;
	s23 =	sand.u32 @!p0 $0x7, s20  }
0x2a: {  	s20 =	sshrl.u32 @!p0 s20, $0x3;
	s19 =	sadd.s32 @!p0 s19, s21;
	s21 =	sshll.u32 @!p0 s23, $0x12  }
0x2b: {  	s19 =	sadd.s32 @!p0 s20, s19;
	s20 =	sor.u32 @!p0 $0x100, s21;
	s21 =	simm.s32 @!p0 $0xC00  }
0x2c: {  	[tilespmem:s22], [sflag:$0x1] =	stream.strided.gather @!p0 [hbm4b:s19+s20], $0x4000, s21, s20, $0x38;
	[tilespmem:$0x10000] =	vst v63  }
0x2d: {  	p0 =	sge.u32 s31, s5  }
.Ltmp2:
0x2e: {  	_ = 	snop;
	(pc) =	sbr.rel @p0 .LBB1_7-.Ltmp2, $1  }
0x2f: {  	_ =	sdelay $0x3  }
0x30: {  	_ =	swait.ge [sflag:s4], $0x4000;
	s19 =	sshll.u32 s14, $0xE  }
0x31: {  	[sflag:s4] =	ssyncset.done $0x0;
	s20 =	sand.u32 $0x4000, s19  }
0x32: {  	s21 =	simm.s32 $0x0;
	[sflag:s4] =	ssyncadd.s32 $0xFFFFC000;
	s19 =	sor.u32 $0x8000, s20  }
.LBB1_3:
0x33: {  	s22 =	sshll.u32 s21, $0x8  }
0x34: {  	s22 =	sand.u32 $0x3FFFFF00, s22  }
0x35: {  	s23 =	sshll.u32 s21, $0x7;
	s22 =	sadd.s32 s22, s20  }
0x36: {  	s23 =	sand.u32 $0x3FFFFF80, s23;
	v0 =	vmov s22  }
0x37: {  	s23 =	sadd.s32 s23, s19  }
0x38: {  	p0 =	por $0x1, $0x1;
	v1 =	vmov s23;
	s22 =	simm.s32 $0x0  }
.LBB1_4:
0x39: {  	s23 =	sshll.u32 s22, $0x7  }
0x3a: {  	s23 =	sand.u32 $0x3FFFFF80, s23  }
0x3b: {  	v2 =	vld.idx.msk [tilespmem:v0+s23+$0x0 ss:$0x1], $0xffff  }
0x3c: {  	v3 =	vld.idx.msk [tilespmem:v0+s23+$0x10 ss:$0x1], $0xffff  }
0x3d: {  	v4 =	vld.idx.msk [tilespmem:v0+s23+$0x20 ss:$0x1], $0xffff  }
0x3e: {  	s31 =	sshll.u32 s22, $0xD;
	v5 =	vld.idx.msk [tilespmem:v0+s23+$0x30 ss:$0x1], $0xffff  }
0x3f: {  	s22 =	sand.u32 $0x3FFFE000, s31;
	v6 =	vld.idx.msk [tilespmem:v0+s23+$0x40 ss:$0x1], $0xffff  }
0x40: {  	v63 =	vld.idx.msk [tilespmem:v0+s23+$0x70 ss:$0x1], $0xffff;
	[tilespmem:v1+s22+$0x0 ss:$0x1] =	vst.idx.msk $0xffff, v2  }
0x41: {  	v2 =	vld.idx.msk [tilespmem:v0+s23+$0x50 ss:$0x1], $0xffff;
	[tilespmem:v1+s22+$0x10 ss:$0x1] =	vst.idx.msk $0xffff, v3  }
0x42: {  	p1 =	por p0, p0;
	v3 =	vld.idx.msk [tilespmem:v0+s23+$0x60 ss:$0x1], $0xffff;
	[tilespmem:v1+s22+$0x20 ss:$0x1] =	vst.idx.msk $0xffff, v4  }
.Ltmp3:
0x43: {  	[tilespmem:v1+s22+$0x30 ss:$0x1] =	vst.idx.msk $0xffff, v5;
	(pc) =	sbr.rel @p1 .LBB1_4-.Ltmp3, $4  }
0x44: {  	[tilespmem:v1+s22+$0x40 ss:$0x1] =	vst.idx.msk $0xffff, v6  }
0x45: {  	[tilespmem:v1+s22+$0x70 ss:$0x1] =	vst.idx.msk $0xffff, v63  }
0x46: {  	[tilespmem:v1+s22+$0x50 ss:$0x1] =	vst.idx.msk $0xffff, v2  }
0x47: {  	p0 =	por $0x0, $0x0;
	[tilespmem:v1+s22+$0x60 ss:$0x1] =	vst.idx.msk $0xffff, v3;
	s22 =	simm.s32 $0x1  }
0x48: {  	s21 =	sadd.s32 $0x1, s21  }
0x49: {  	p0 =	sne.s32 s21, $0x40  }
.Ltmp4:
0x4a: {  	_ = 	snop;
	(pc) =	sbr.rel @p0 .LBB1_3-.Ltmp4, $1  }
0x4b: {  	_ =	sdelay $0x3  }
0x4c: {  	s20 =	sshrl.u32 s18, $0x3  }
0x4d: {  	s21 =	sshll.u32 s17, $0x3;
	s20 =	smul.u32 $0xC00, s20  }
0x4e: {  	s28 =	sshll.u32 s18, $0x7;
	s21 =	sand.u32 $0xFFFFFC00, s21  }
0x4f: {  	s18 =	sand.u32 $0x380, s28;
	s20 =	sadd.s32 s20, s21  }
0x50: {  	s29 =	sand.u32 $0x7F, s17;
	s18 =	sor.u32 s18, s20  }
0x51: {  	s17 =	sor.u32 s29, s18;
	s18 =	smulhi.u32 $0xAAAAAAAB, s18  }
0x52: {  	s30 =	smulhi.u32 $0xAAAAAAAB, s17  }
0x53: {  	s16 =	smul.u32 $0x6000, s16  }
0x54: {  	s15 =	smul.u32 $0xC00, s15;
	s18 =	sshrl.u32 s18, $0x8;
	s20 =	sshrl.u32 s30, $0x8  }
0x55: {  	s18 =	sand.u32 $0x3F, s18;
	s20 =	smul.u32 $0x180, s20  }
0x56: {  	s18 =	smul.u32 $0x30, s18  }
.Ltmp5:
0x57: {  	s16 =	sadd.s32 s6, s16;
	s17 =	ssub.s32 s17, s20;
	(pc) =	sbr.rel .LBB1_7-.Ltmp5, $4  }
0x58: {  	s15 =	sadd.s32 s15, s16;
	s31 =	sand.u32 $0x7, s17  }
0x59: {  	s15 =	sadd.s32 s18, s15;
	s17 =	sshrl.u32 s17, $0x3;
	s16 =	sshll.u32 s31, $0x12  }
0x5a: {  	s15 =	sadd.s32 s17, s15;
	s16 =	sor.u32 $0x400, s16  }
0x5b: {  	[hbm4b:s15+s16] =	stream.strided.scatter [tilespmem:s19], [sflag:$0x2], $0x4000, s9, s16, $0x38;
	[tilespmem:$0x10000] =	vst v63  }
.LBB1_8:
0x5c: {  	_ =	sfence.sel $0x180000  }
0x5d: {  	s2 =	simm.s32 $0x1;
	[bflag:$0x0] =	sbarrier.arrive $0xFFFF  }
0x5e: {  	s31 =	simm.s32 $0x2;
	[sflag:s2] =	ssyncpa.u1 $0x1  }
0x5f: {  	[sflag:s31] =	ssyncpa.u1 $0x1  }
0x60: {  	p0 =	sne.s32 s0, $0x0;
	_ =	strace $0x9000004A  }
0x61: {  	s0 =	sadd.s32 @!p0 $0x100000, s1;
	[bflag:$0x2] =	sbarrier.arrive $0xFFFF  }
0x62: {  	[sflag:s0] =	ssyncadd.tile.s32 @!p0 $0x1;
	_ =	shalt  }
.Lfunc_end1:
_tile_overlayer_lowered:
.L_overlay_start_2:
0x63: {  	(tag) =	ssettag $0x2  }
0x64: {  	s0 =	rddreg [dreg:$0x0];
	s2 =	stileid.u32  }
0x65: {  	s1 =	rddreg [dreg:$0x1];
	p0 =	sne.s32 s2, $0x0  }
0x66: {  	s3 =	rddreg [dreg:$0x2];
	[bflag:$0x3] =	sbarrier.arrive $0xFFFF;
	s2 =	simm.s32 @!p0 $0x1C01  }
0x67: {  	[timem:s3], [sflag:s2] =	dma.local @!p0 [hbm:s0], s1  }
0x68: {  	s0 =	simm.s32 @!p0 $0x1  }
0x69: {  	_ =	swait.ge @!p0 [sflag:s0], s1  }
0x6a: {  	s1 =	ssub.s32 @!p0 $0x0, s1;
	[sflag:s0] =	ssyncset.done @!p0 $0x0  }
0x6b: {  	[sflag:s0] =	ssyncadd.s32 @!p0 s1  }
0x6c: {  	[bflag:$0x3] =	sbarrier.arrive $0xFFFF  }
0x6d: {  	_ =	shalt  }

// kernel: sparse-core-data-format-call.2.cloned.1.call-start
scs
called_computation.2_lowered:
.L_overlay_start_0:
0x0: {  	s2 =	sld [smem:$0x3FD9]  }
0x1: {  	s3 =	sld [smem:$0x3FFE];
	_ =	sdelay $0x1  }
0x2: {  	s1 =	srdreg.scid  }
0x3: {  	s0 =	sand.u32 $0x1, s1  }
0x4: {  	s18 =	sshll.u32 s0, $0xA;
	s2 =	sadd.s32 s3, s2  }
0x5: {  	s2 =	sadd.s32 s2, s18  }
0x6: {  	[smem:$0x3FC7] =	sst s2  }
0x7: {  	_ = 	snop  }
0x8: {  	s2 =	sld [smem:$0x3FD0];
	(tm) =	ssettm $0x1  }
0x9: {  	s19 =	sld [smem:$0x3FFB];
	_ =	sdelay $0x3  }
0xa: {  	_ =	strace s19  }
0xb: {  	s3 =	sld [smem:$0x3FFC];
	_ =	sdelay $0x3  }
0xc: {  	_ =	strace s3  }
0xd: {  	s3 =	sld [smem:$0x3FFD];
	_ =	sdelay $0x3  }
0xe: {  	_ =	strace s3  }
0xf: {  	_ =	strace $0x8FFFFFFF  }
0x10: {  	s20 =	sld [smem:$0x3FDB];
	_ =	sdelay $0x1  }
0x11: {  	s4 =	simm.s32 $_scs_section_size  }
0x12: {  	s5 =	simm.s32 $_size__tile_overlayer_lowered;
	s6 =	simm.s32 $_tile_overlayer_lowered  }
0x13: {  	s23 =	simm.s32 $0x1BFF;
	s22 =	sshll.u32 s6, $0x1;
	s3 =	sadd.s32 s4, s20  }
0x14: {  	s7 =	simm.s32 $0x0;
	s21 =	sshll.u32 s5, $0x1;
	s5 =	sadd.s32 s22, s3  }
0x15: {  	[timem:s7], [sflag:s23] =	dma.local [hbm:s5], s21  }
0x16: {  	_ =	swait.ge [sflag:s23], s21  }
0x17: {  	s4 =	ssub.s32 $0x0, s21;
	[sflag:s23] =	ssyncset.done $0x0  }
0x18: {  	[sflag:s23] =	ssyncadd.s32 s4;
	_ =	sdelay $0x1  }
0x19: {  	s24 =	simm.s32 $0x1B8B  }
0x1a: {  	_ =	swait.ge [sflag:s24], $0x1  }
0x1b: {  	[sflag:s24] =	ssyncset.done $0x0  }
0x1c: {  	s26 =	simm.s32 $0x1B8E;
	s25 =	sld [smem:$0x3FFE];
	[sflag:s24] =	ssyncadd.s32 $0xFFFFFFFF  }
0x1d: {  	s27 =	simm.s32 $execute0_lowered;
	[smem:$0x3FD2] =	sst s26  }
0x1e: {  	s5 =	sshll.u32 s27, $0x1;
	_ =	strace $0x80000046;
	[dreg:$0x1] =	wrdreg $0xFFFFFFFF  }
0x1f: {  	s28 =	simm.s32 $_size_execute0_lowered;
	s3 =	sadd.s32 s3, s5;
	[dreg:$0x0] =	wrdreg $0x0  }
0x20: {  	s5 =	sshll.u32 s28, $0x1;
	[dreg:$0x2] =	wrdreg s3  }
0x21: {  	[dreg:$0x3] =	wrdreg s5  }
0x22: {  	[dreg:$0x4] =	wrdreg $0xC0  }
0x23: {  	_ =	task [dreg:s7], $0x5FFFF  }
0x24: {  	[dreg:$0x1] =	wrdreg $0xFFFFFFFF  }
0x25: {  	[dreg:$0x0] =	wrdreg $0x60  }
0x26: {  	[dreg:$0x2] =	wrdreg s2  }
0x27: {  	[dreg:$0x3] =	wrdreg s25  }
0x28: {  	[dreg:$0x4] =	wrdreg $0x9  }
0x29: {  	_ =	task.clear_ibuf [dreg:s7], $0x5FFFF;
	_ =	strace $0x90000046  }
0x2a: {  	s29 =	simm.s32 $0x9;
	_ =	strace $0x80000048  }
0x2b: {  	_ =	swait.ge [sflag:s29], $0x1  }
0x2c: {  	[sflag:s29] =	ssyncadd.s32 $0xFFFFFFFF  }
0x2d: {  	_ =	strace $0x90000048  }
0x2e: {  	_ =	sfence  }
0x2f: {  	s30 =	sld [smem:$0x0];
	_ =	sdelay $0x2  }
0x30: {  	s31 =	sshll.u32 s1, $0xD;
	s1 =	sshrl.u32 s1, $0x2  }
0x31: {  	s3 =	sand.u32 $0x4000, s31;
	s1 =	sadd.s32 s1, s30  }
0x32: {  	s0 =	sor.u32 s3, s0;
	s1 =	sshll.u32 s1, $0x11  }
0x33: {  	s0 =	sor.u32 s1, s0  }
0x34: {  	s0 =	sadd.s32 $0x8F2B, s0  }
0x35: {  	[sflag:s0] =	ssyncadd.remote.s32 $0x1  }
0x36: {  	_ =	sfence.sel $0xFFFF  }
0x37: {  	[dreg:$0x0] =	wrdreg $0xFFFFFFFF;
	(pc) =	sbr.abs _section_cstart, $3  }
0x38: {  	[dreg:$0x1] =	wrdreg $0xFFFFFFFF  }
0x39: {  	_ =	task.clear_ibuf [dreg:s7], $0x2FFFF;
	_ =	strace $0x9FFFFFFF  }
0x3a: {  	(tm) =	ssettm $0x7FFFFFFF  }
0x3b: {  	_ =	shalt  }
tec
execute0_lowered:
.L_overlay_start_1:
0x0: {  	(tag) =	ssettag $0x1  }
0x1: {  	s1 =	srdreg.scid;
	s3 =	rddreg [dreg:$0x0]  }
0x2: {  	s0 =	stileid.u32;
	s6 =	rddreg [dreg:$0x1];
	s1 =	sshll.u32 s1, $0x4  }
0x3: {  	s8 =	simm.s32 $0x2;
	s17 =	simm.s32 $0x0;
	s1 =	sor.u32 s0, s1  }
0x4: {  	s9 =	simm.s32 $0xC00;
	s10 =	simm.s32 $0x0;
	s1 =	sshrl.u32 s1, $0x2  }
0x5: {  	s16 =	simm.s32 $0x0;
	s19 =	simm.s32 $0x0;
	s2 =	sand.u32 $0x6, s1  }
0x6: {  	s18 =	simm.s32 $0x0;
	s11 =	simm.s32 $0x0;
	s1 =	ssub.s32 $0x8, s2  }
0x7: {  	s12 =	simm.s32 $0x0;
	s15 =	simm.s32 $0x0;
	s4 =	sand.u32 $0x6, s1  }
0x8: {  	s26 =	simm.s32 $0x0;
	p0 =	sne.s32 s4, $0x0;
	s4 =	simm.s32 $0x1  }
.Ltmp0:
0x9: {  	s5 =	sshrl.u32 s1, $0x3;
	s4 =	simm.s32 @!p0 $0x0;
	(pc) =	sbr.rel .LBB1_1-.Ltmp0, $4  }
0xa: {  	s7 =	sand.u32 $0x7, s0;
	s1 =	rddreg [dreg:$0x2];
	s5 =	sadd.s32 s4, s5  }
0xb: {  	_ =	strace $0x80000047;
	s4 =	simm.s32 $0x1;
	s5 =	smul.u32 $0x1B, s5  }
0xc: {  	s6 =	sadd.s32 $0xC00, s6;
	s14 =	smov.u32 s7;
	[sflag:s4] =	ssyncpa.u1 $0x0  }
0xd: {  	s13 =	smov.u32 s2;
	[sflag:s8] =	ssyncpa.u1 $0x0;
	s8 =	sadd.s32 $0x1, s5  }
.LBB1_7:
0xe: {  	s20 =	sadd.s32 $0x80, s11  }
0xf: {  	s16 =	sadd.s32 $0x40, s12;
	s21 =	smov.u32 s12;
	p1 =	sgt.s32 s20, $0x17F  }
0x10: {  	s21 =	smov.u32 @p1 s16  }
0x11: {  	s22 =	smov.u32 s13;
	s16 =	sadd.s32 $0x8, s13;
	p2 =	sgt.s32 s21, $0x3F  }
0x12: {  	s22 =	smov.u32 @p2 s16  }
0x13: {  	s23 =	smov.u32 s14;
	s16 =	sadd.s32 $0x8, s14;
	p3 =	sgt.s32 s22, $0x7  }
0x14: {  	p0 =	slt.u32 s15, $0x2;
	s23 =	smov.u32 @p3 s16  }
0x15: {  	s17 =	smov.u32 s11;
	s20 =	simm.s32 @p1 $0x0;
	p1 =	sgt.s32 s23, $0x47  }
0x16: {  	s24 =	simm.s32 @!p0 $0x2;
	s23 =	smov.u32 @p1 s7;
	p1 =	sne.s32 s15, s8  }
.Ltmp1:
0x17: {  	s19 =	smov.u32 s13;
	_ =	swait.ge @!p0 [sflag:s24], $0x4000;
	(pc) =	sbr.rel @!p1 .LBB1_8-.Ltmp1, $4  }
0x18: {  	s18 =	smov.u32 s14;
	s10 =	sadd.s32 $0x4000, s10;
	[sflag:s24] =	ssyncset.done @!p0 $0x0  }
0x19: {  	s11 =	smov.u32 s20;
	s21 =	simm.s32 @p2 $0x0;
	[sflag:s24] =	ssyncadd.s32 @!p0 $0xFFFFC000  }
0x1a: {  	s22 =	smov.u32 @p3 s2;
	s16 =	smov.u32 s12;
	s12 =	smov.u32 s21  }
0x1b: {  	s13 =	smov.u32 s22;
	s15 =	sadd.s32 $0x1, s15;
	s14 =	smov.u32 s23  }
.LBB1_1:
0x1c: {  	p0 =	sge.u32 s15, s5  }
0x1d: {  	s20 =	sshrl.u32 @!p0 s12, $0x3  }
0x1e: {  	s21 =	sshll.u32 @!p0 s11, $0x3;
	s20 =	smul.u32 @!p0 $0xC00, s20  }
0x1f: {  	s22 =	sshll.u32 @!p0 s12, $0x7;
	s21 =	sand.u32 @!p0 $0xFFFFFC00, s21  }
0x20: {  	s20 =	sadd.s32 @!p0 s20, s21;
	s21 =	sand.u32 @!p0 $0x380, s22  }
0x21: {  	s22 =	sand.u32 @!p0 $0x7F, s11;
	s20 =	sor.u32 @!p0 s21, s20  }
0x22: {  	s21 =	sor.u32 @!p0 s22, s20  }
0x23: {  	s22 =	smulhi.u32 @!p0 $0xAAAAAAAB, s21  }
0x24: {  	s20 =	smulhi.u32 @!p0 $0xAAAAAAAB, s20  }
0x25: {  	s31 =	sadd.s32 $0xFFFFFFFF, s15;
	s24 =	smul.u32 @!p0 $0x6000, s14;
	s22 =	sshrl.u32 @!p0 s22, $0x8  }
0x26: {  	s23 =	sxor.u32 @!p0 $0xFFFFFFFF, s15;
	s20 =	sshrl.u32 @!p0 s20, $0x8;
	s22 =	smul.u32 @!p0 $0x180, s22  }
0x27: {  	s25 =	smul.u32 @!p0 $0xC00, s13;
	s23 =	sshll.u32 @!p0 s23, $0xE;
	s20 =	sand.u32 @!p0 $0x3F, s20  }
0x28: {  	s20 =	smul.u32 @!p0 $0x30, s20;
	s21 =	ssub.s32 @!p0 s21, s22;
	s22 =	sadd.s32 @!p0 s3, s24  }
0x29: {  	s23 =	sand.u32 @!p0 $0x4000, s23;
	s22 =	sadd.s32 @!p0 s25, s22;
	s24 =	sand.u32 @!p0 $0x7, s21  }
0x2a: {  	s21 =	sshrl.u32 @!p0 s21, $0x3;
	s20 =	sadd.s32 @!p0 s20, s22;
	s22 =	sshll.u32 @!p0 s24, $0x12  }
0x2b: {  	s20 =	sadd.s32 @!p0 s21, s20;
	s21 =	sor.u32 @!p0 $0x400, s22;
	s22 =	simm.s32 @!p0 $0xC00  }
0x2c: {  	[tilespmem:s23], [sflag:$0x1] =	stream.strided.gather @!p0 [hbm4b:s20+s21], $0x4000, s22, s21, $0x38;
	[tilespmem:$0x10000] =	vst v63  }
0x2d: {  	p0 =	sge.u32 s31, s5  }
.Ltmp2:
0x2e: {  	_ = 	snop;
	(pc) =	sbr.rel @p0 .LBB1_7-.Ltmp2, $1  }
0x2f: {  	_ =	sdelay $0x3  }
0x30: {  	s20 =	sshll.u32 s10, $0x2  }
0x31: {  	_ =	swait.ge [sflag:s4], $0x4000;
	s21 =	sshll.u32 s15, $0xE;
	s23 =	simm.s32 $0x0  }
0x32: {  	p1 =	por $0x1, $0x1;
	s20 =	sand.u32 $0x10000, s20;
	[sflag:s4] =	ssyncset.done $0x0  }
0x33: {  	s21 =	sand.u32 $0x4000, s21;
	s22 =	sshrl.u32 s20, $0x2;
	[sflag:s4] =	ssyncadd.s32 $0xFFFFC000  }
0x34: {  	s20 =	sor.u32 $0x8000, s21;
	s21 =	sadd.s32 $0x8040, s22;
	s22 =	sadd.s32 $0x40, s22  }
.LBB1_3:
0x35: {  	s24 =	sshll.u32 s23, $0xD  }
0x36: {  	s24 =	sand.u32 $0x3FFFE000, s24  }
0x37: {  	s24 =	sadd.s32 s24, s22  }
0x38: {  	v0 =	vmov s24;
	_ =	sdelay $0x4  }
0x39: {  	v6 =	vld.idx.msk [tilespmem:v0+s26+$0x30 ss:$0x1], $0xffff  }
0x3a: {  	v7 =	vld.idx.msk [tilespmem:v0+s26+$0xFFFFFFC0 ss:$0x1], $0xffff  }
0x3b: {  	v1 =	vld.idx.msk [tilespmem:v0+s26+$0xFFFFFFD0 ss:$0x1], $0xffff  }
0x3c: {  	s31 =	sshll.u32 s23, $0x7;
	v2 =	vld.idx.msk [tilespmem:v0+s26+$0xFFFFFFE0 ss:$0x1], $0xffff  }
0x3d: {  	s23 =	sand.u32 $0x3FFFFF80, s31;
	v3 =	vld.idx.msk [tilespmem:v0+s26+$0xFFFFFFF0 ss:$0x1], $0xffff  }
0x3e: {  	s23 =	sadd.s32 s23, s21;
	v4 =	vld.idx.msk [tilespmem:v0+s26+$0x0 ss:$0x1], $0xffff  }
0x3f: {  	v5 =	vld.idx.msk [tilespmem:v0+s26+$0x10 ss:$0x1], $0xffff;
	[tilespmem:s23+$0x30] =	vst v6  }
0x40: {  	p0 =	por p1, p1;
	s25 =	simm.s32 $0x400;
	s24 =	simm.s32 $0x80;
	[tilespmem:s23+$0xFFFFFFC0] =	vst v7;
	v6 =	vld.idx.msk [tilespmem:v0+s26+$0x20 ss:$0x1], $0xffff  }
.LBB1_4:
0x41: {  	p1 =	sne.s32 s25, $0x7E00;
	v7 =	vld.idx.msk [tilespmem:v0+s24+$0x30 ss:$0x1], $0xffff;
	[tilespmem:s23+$0xFFFFFFD0] =	vst v1  }
0x42: {  	v8 =	vld.idx.msk [tilespmem:v0+s24+$0xFFFFFFC0 ss:$0x1], $0xffff;
	[tilespmem:s23+$0xFFFFFFE0] =	vst v2  }
0x43: {  	v1 =	vld.idx.msk [tilespmem:v0+s24+$0xFFFFFFD0 ss:$0x1], $0xffff;
	[tilespmem:s23+$0xFFFFFFF0] =	vst v3  }
.Ltmp3:
0x44: {  	v2 =	vld.idx.msk [tilespmem:v0+s24+$0xFFFFFFE0 ss:$0x1], $0xffff;
	[tilespmem:s23+$0x0] =	vst v4;
	(pc) =	sbr.rel @p1 .LBB1_4-.Ltmp3, $4  }
0x45: {  	v3 =	vld.idx.msk [tilespmem:v0+s24+$0xFFFFFFF0 ss:$0x1], $0xffff;
	[tilespmem:s23+$0x10] =	vst v5  }
0x46: {  	v4 =	vld.idx.msk [tilespmem:v0+s24+$0x0 ss:$0x1], $0xffff;
	[tilespmem:s23+$0x20] =	vst v6;
	s23 =	sadd.s32 $0x100, s23  }
0x47: {  	v5 =	vld.idx.msk [tilespmem:v0+s24+$0x10 ss:$0x1], $0xffff;
	[tilespmem:s23+$0x30] =	vst v7  }
0x48: {  	[tilespmem:s23+$0xFFFFFFC0] =	vst v8;
	v6 =	vld.idx.msk [tilespmem:v0+s24+$0x20 ss:$0x1], $0xffff;
	s24 =	sshra.s32 s25, $0x2;
	s25 =	sadd.s32 $0x200, s25  }
0x49: {  	_ =	sdelay $0x2  }
0x4a: {  	[tilespmem:s23+$0xFFFFFFD0] =	vst v1  }
0x4b: {  	v56 =	vld.idx.msk [tilespmem:v0+s24+$0x30 ss:$0x1], $0xffff;
	[tilespmem:s23+$0xFFFFFFE0] =	vst v2  }
0x4c: {  	v57 =	vld.idx.msk [tilespmem:v0+s24+$0xFFFFFFC0 ss:$0x1], $0xffff;
	[tilespmem:s23+$0xFFFFFFF0] =	vst v3  }
0x4d: {  	v58 =	vld.idx.msk [tilespmem:v0+s24+$0xFFFFFFD0 ss:$0x1], $0xffff;
	[tilespmem:s23+$0x0] =	vst v4  }
0x4e: {  	v59 =	vld.idx.msk [tilespmem:v0+s24+$0xFFFFFFE0 ss:$0x1], $0xffff;
	[tilespmem:s23+$0x10] =	vst v5  }
0x4f: {  	v60 =	vld.idx.msk [tilespmem:v0+s24+$0xFFFFFFF0 ss:$0x1], $0xffff;
	s31 =	sadd.s32 $0x100, s23;
	[tilespmem:s23+$0x20] =	vst v6  }
0x50: {  	v61 =	vld.idx.msk [tilespmem:v0+s24+$0x0 ss:$0x1], $0xffff;
	[tilespmem:s31+$0x30] =	vst v56  }
0x51: {  	v62 =	vld.idx.msk [tilespmem:v0+s24+$0x10 ss:$0x1], $0xffff;
	[tilespmem:s31+$0xFFFFFFC0] =	vst v57  }
0x52: {  	v63 =	vld.idx.msk [tilespmem:v0+s24+$0x20 ss:$0x1], $0xffff;
	[tilespmem:s31+$0xFFFFFFD0] =	vst v58  }
.Ltmp4:
0x53: {  	[tilespmem:s31+$0xFFFFFFE0] =	vst v59;
	(pc) =	sbr.rel @p0 .LBB1_3-.Ltmp4, $4  }
0x54: {  	[tilespmem:s31+$0xFFFFFFF0] =	vst v60  }
0x55: {  	[tilespmem:s31+$0x0] =	vst v61  }
0x56: {  	[tilespmem:s31+$0x10] =	vst v62  }
0x57: {  	p1 =	por $0x0, $0x0;
	s23 =	simm.s32 $0x1;
	[tilespmem:s31+$0x20] =	vst v63  }
0x58: {  	s21 =	sshrl.u32 s19, $0x3  }
0x59: {  	s22 =	sshll.u32 s17, $0x3;
	s21 =	smul.u32 $0xC00, s21  }
0x5a: {  	s27 =	sshll.u32 s19, $0x7;
	s22 =	sand.u32 $0xFFFFFC00, s22  }
0x5b: {  	s19 =	sand.u32 $0x380, s27;
	s21 =	sadd.s32 s21, s22  }
0x5c: {  	s28 =	sand.u32 $0x7F, s17;
	s19 =	sor.u32 s19, s21  }
0x5d: {  	s17 =	sor.u32 s28, s19;
	s19 =	smulhi.u32 $0xAAAAAAAB, s19  }
0x5e: {  	s29 =	smulhi.u32 $0xAAAAAAAB, s17  }
0x5f: {  	s18 =	smul.u32 $0x6000, s18  }
0x60: {  	s16 =	smul.u32 $0x180, s16;
	s19 =	sshrl.u32 s19, $0x8;
	s21 =	sshrl.u32 s29, $0x8  }
0x61: {  	s19 =	sand.u32 $0x7, s19;
	s21 =	smul.u32 $0x180, s21  }
0x62: {  	s19 =	smul.u32 $0x30, s19  }
.Ltmp5:
0x63: {  	s18 =	sadd.s32 s6, s18;
	s17 =	ssub.s32 s17, s21;
	(pc) =	sbr.rel .LBB1_7-.Ltmp5, $4  }
0x64: {  	s16 =	sadd.s32 s16, s18;
	s30 =	sand.u32 $0x7, s17  }
0x65: {  	s16 =	sadd.s32 s19, s16;
	s17 =	sshrl.u32 s17, $0x3;
	s18 =	sshll.u32 s30, $0x12  }
0x66: {  	s16 =	sadd.s32 s17, s16;
	s31 =	sor.u32 $0x100, s18  }
0x67: {  	[hbm4b:s16+s31] =	stream.strided.scatter [tilespmem:s20], [sflag:$0x2], $0x4000, s9, s31, $0x38;
	[tilespmem:$0x10000] =	vst v63  }
.LBB1_8:
0x68: {  	_ =	sfence.sel $0x180000  }
0x69: {  	s2 =	simm.s32 $0x1;
	[bflag:$0x0] =	sbarrier.arrive $0xFFFF  }
0x6a: {  	s31 =	simm.s32 $0x2;
	[sflag:s2] =	ssyncpa.u1 $0x1  }
0x6b: {  	[sflag:s31] =	ssyncpa.u1 $0x1  }
0x6c: {  	p0 =	sne.s32 s0, $0x0;
	_ =	strace $0x90000047  }
0x6d: {  	s0 =	sadd.s32 @!p0 $0x100000, s1;
	[bflag:$0x2] =	sbarrier.arrive $0xFFFF  }
0x6e: {  	[sflag:s0] =	ssyncadd.tile.s32 @!p0 $0x1;
	_ =	shalt  }
.Lfunc_end1:
_tile_overlayer_lowered:
.L_overlay_start_2:
0x6f: {  	(tag) =	ssettag $0x2  }
0x70: {  	s0 =	rddreg [dreg:$0x0];
	s2 =	stileid.u32  }
0x71: {  	s1 =	rddreg [dreg:$0x1];
	p0 =	sne.s32 s2, $0x0  }
0x72: {  	s3 =	rddreg [dreg:$0x2];
	[bflag:$0x3] =	sbarrier.arrive $0xFFFF;
	s2 =	simm.s32 @!p0 $0x1C01  }
0x73: {  	[timem:s3], [sflag:s2] =	dma.local @!p0 [hbm:s0], s1  }
0x74: {  	s0 =	simm.s32 @!p0 $0x1  }
0x75: {  	_ =	swait.ge @!p0 [sflag:s0], s1  }
0x76: {  	s1 =	ssub.s32 @!p0 $0x0, s1;
	[sflag:s0] =	ssyncset.done @!p0 $0x0  }
0x77: {  	[sflag:s0] =	ssyncadd.s32 @!p0 s1  }
0x78: {  	[bflag:$0x3] =	sbarrier.arrive $0xFFFF  }
0x79: {  	_ =	shalt  }

// kernel: sparse-core-data-format-call.cloned.1.call-start
scs
called_computation_lowered:
.L_overlay_start_0:
0x0: {  	s2 =	sld [smem:$0x3FD9]  }
0x1: {  	s3 =	sld [smem:$0x3FFE];
	_ =	sdelay $0x1  }
0x2: {  	s1 =	srdreg.scid  }
0x3: {  	s0 =	sand.u32 $0x1, s1  }
0x4: {  	s18 =	sshll.u32 s0, $0xA;
	s2 =	sadd.s32 s3, s2  }
0x5: {  	s2 =	sadd.s32 s2, s18  }
0x6: {  	[smem:$0x3FC7] =	sst s2  }
0x7: {  	_ = 	snop  }
0x8: {  	s2 =	sld [smem:$0x3FD0];
	(tm) =	ssettm $0x1  }
0x9: {  	s19 =	sld [smem:$0x3FFB];
	_ =	sdelay $0x3  }
0xa: {  	_ =	strace s19  }
0xb: {  	s3 =	sld [smem:$0x3FFC];
	_ =	sdelay $0x3  }
0xc: {  	_ =	strace s3  }
0xd: {  	s3 =	sld [smem:$0x3FFD];
	_ =	sdelay $0x3  }
0xe: {  	_ =	strace s3  }
0xf: {  	_ =	strace $0x8FFFFFFF  }
0x10: {  	s20 =	sld [smem:$0x3FDB];
	_ =	sdelay $0x1  }
0x11: {  	s4 =	simm.s32 $_scs_section_size  }
0x12: {  	s5 =	simm.s32 $_size__tile_overlayer_lowered;
	s6 =	simm.s32 $_tile_overlayer_lowered  }
0x13: {  	s23 =	simm.s32 $0x1BFF;
	s22 =	sshll.u32 s6, $0x1;
	s3 =	sadd.s32 s4, s20  }
0x14: {  	s7 =	simm.s32 $0x0;
	s21 =	sshll.u32 s5, $0x1;
	s5 =	sadd.s32 s22, s3  }
0x15: {  	[timem:s7], [sflag:s23] =	dma.local [hbm:s5], s21  }
0x16: {  	_ =	swait.ge [sflag:s23], s21  }
0x17: {  	s4 =	ssub.s32 $0x0, s21;
	[sflag:s23] =	ssyncset.done $0x0  }
0x18: {  	[sflag:s23] =	ssyncadd.s32 s4;
	_ =	sdelay $0x1  }
0x19: {  	s24 =	simm.s32 $0x1B8B  }
0x1a: {  	_ =	swait.ge [sflag:s24], $0x1  }
0x1b: {  	[sflag:s24] =	ssyncset.done $0x0  }
0x1c: {  	s26 =	simm.s32 $0x1B8E;
	s25 =	sld [smem:$0x3FFE];
	[sflag:s24] =	ssyncadd.s32 $0xFFFFFFFF  }
0x1d: {  	s27 =	simm.s32 $execute0_lowered;
	[smem:$0x3FD2] =	sst s26  }
0x1e: {  	s5 =	sshll.u32 s27, $0x1;
	_ =	strace $0x8000004C;
	[dreg:$0x1] =	wrdreg $0xFFFFFFFF  }
0x1f: {  	s28 =	simm.s32 $_size_execute0_lowered;
	s3 =	sadd.s32 s3, s5;
	[dreg:$0x0] =	wrdreg $0x0  }
0x20: {  	s5 =	sshll.u32 s28, $0x1;
	[dreg:$0x2] =	wrdreg s3  }
0x21: {  	[dreg:$0x3] =	wrdreg s5  }
0x22: {  	[dreg:$0x4] =	wrdreg $0xC0  }
0x23: {  	_ =	task [dreg:s7], $0x5FFFF  }
0x24: {  	[dreg:$0x1] =	wrdreg $0xFFFFFFFF  }
0x25: {  	[dreg:$0x0] =	wrdreg $0x60  }
0x26: {  	[dreg:$0x2] =	wrdreg s25  }
0x27: {  	[dreg:$0x3] =	wrdreg s2  }
0x28: {  	[dreg:$0x4] =	wrdreg $0x9  }
0x29: {  	_ =	task.clear_ibuf [dreg:s7], $0x5FFFF;
	_ =	strace $0x9000004C  }
0x2a: {  	s29 =	simm.s32 $0x9;
	_ =	strace $0x8000004E  }
0x2b: {  	_ =	swait.ge [sflag:s29], $0x1  }
0x2c: {  	[sflag:s29] =	ssyncadd.s32 $0xFFFFFFFF  }
0x2d: {  	_ =	strace $0x9000004E  }
0x2e: {  	_ =	sfence  }
0x2f: {  	s30 =	sld [smem:$0x0];
	_ =	sdelay $0x2  }
0x30: {  	s31 =	sshll.u32 s1, $0xD;
	s1 =	sshrl.u32 s1, $0x2  }
0x31: {  	s3 =	sand.u32 $0x4000, s31;
	s1 =	sadd.s32 s1, s30  }
0x32: {  	s0 =	sor.u32 s3, s0;
	s1 =	sshll.u32 s1, $0x11  }
0x33: {  	s0 =	sor.u32 s1, s0  }
0x34: {  	s0 =	sadd.s32 $0x8F2B, s0  }
0x35: {  	[sflag:s0] =	ssyncadd.remote.s32 $0x1  }
0x36: {  	_ =	sfence.sel $0xFFFF  }
0x37: {  	[dreg:$0x0] =	wrdreg $0xFFFFFFFF;
	(pc) =	sbr.abs _section_cstart, $3  }
0x38: {  	[dreg:$0x1] =	wrdreg $0xFFFFFFFF  }
0x39: {  	_ =	task.clear_ibuf [dreg:s7], $0x2FFFF;
	_ =	strace $0x9FFFFFFF  }
0x3a: {  	(tm) =	ssettm $0x7FFFFFFF  }
0x3b: {  	_ =	shalt  }
tec
execute0_lowered:
.L_overlay_start_1:
0x0: {  	(tag) =	ssettag $0x1  }
0x1: {  	s0 =	srdreg.scid;
	s6 =	rddreg [dreg:$0x0]  }
0x2: {  	s3 =	rddreg [dreg:$0x1];
	s1 =	sshll.u32 s0, $0x4  }
0x3: {  	s7 =	simm.s32 $0x2;
	s0 =	stileid.u32;
	s1 =	sand.u32 $0x10, s1  }
0x4: {  	s17 =	simm.s32 $0x0;
	s8 =	simm.s32 $0x36000;
	s2 =	sor.u32 s0, s1  }
0x5: {  	s9 =	simm.s32 $0x0;
	s15 =	simm.s32 $0x0;
	s1 =	ssub.s32 $0x18, s2  }
0x6: {  	s18 =	simm.s32 $0x0;
	s16 =	simm.s32 $0x0;
	p0 =	sgt.s32 s1, $0x0  }
0x7: {  	s10 =	simm.s32 $0x0;
	s11 =	simm.s32 $0x0;
	s1 =	simm.s32 @!p0 $0x0  }
.Ltmp0:
0x8: {  	s12 =	simm.s32 $0x0;
	s4 =	sadd.s32 $0x1F, s1;
	(pc) =	sbr.rel .LBB1_1-.Ltmp0, $4  }
0x9: {  	s14 =	simm.s32 $0x0;
	s1 =	rddreg [dreg:$0x2];
	s5 =	sshrl.u32 s4, $0x5  }
0xa: {  	_ =	strace $0x8000004D;
	s4 =	simm.s32 $0x1;
	s5 =	smul.u32 $0x24, s5  }
0xb: {  	s25 =	simm.s32 $0x0;
	s6 =	sadd.s32 $0xC00, s6;
	[sflag:s4] =	ssyncpa.u1 $0x0  }
0xc: {  	s13 =	smov.u32 s2;
	[sflag:s7] =	ssyncpa.u1 $0x0;
	s7 =	sor.u32 $0x1, s5  }
.LBB1_7:
0xd: {  	s19 =	sadd.s32 $0x80, s10  }
0xe: {  	s15 =	sadd.s32 $0x40, s11;
	s20 =	smov.u32 s11;
	p1 =	sgt.s32 s19, $0x17F  }
0xf: {  	s20 =	smov.u32 @p1 s15  }
0x10: {  	s21 =	smov.u32 s12;
	s15 =	sadd.s32 $0x2, s12;
	p2 =	sgt.s32 s20, $0x3F  }
0x11: {  	s21 =	smov.u32 @p2 s15  }
0x12: {  	s22 =	smov.u32 s13;
	s15 =	sadd.s32 $0x20, s13;
	p3 =	sgt.s32 s21, $0x17  }
0x13: {  	p0 =	slt.u32 s14, $0x2;
	s22 =	smov.u32 @p3 s15  }
0x14: {  	s17 =	smov.u32 s10;
	s19 =	simm.s32 @p1 $0x0;
	p1 =	sgt.s32 s22, $0x17  }
0x15: {  	s23 =	simm.s32 @!p0 $0x2;
	s22 =	smov.u32 @p1 s2;
	p1 =	sne.s32 s14, s7  }
.Ltmp1:
0x16: {  	s18 =	smov.u32 s12;
	_ =	swait.ge @!p0 [sflag:s23], $0x4000;
	(pc) =	sbr.rel @!p1 .LBB1_8-.Ltmp1, $4  }
0x17: {  	s16 =	smov.u32 s13;
	s9 =	sadd.s32 $0x4000, s9;
	[sflag:s23] =	ssyncset.done @!p0 $0x0  }
0x18: {  	s10 =	smov.u32 s19;
	s20 =	simm.s32 @p2 $0x0;
	[sflag:s23] =	ssyncadd.s32 @!p0 $0xFFFFC000  }
0x19: {  	s21 =	simm.s32 @p3 $0x0;
	s15 =	smov.u32 s11;
	s11 =	smov.u32 s20  }
0x1a: {  	s12 =	smov.u32 s21;
	s14 =	sadd.s32 $0x1, s14;
	s13 =	smov.u32 s22  }
.LBB1_1:
0x1b: {  	p0 =	sge.u32 s14, s5  }
0x1c: {  	s19 =	sshrl.u32 @!p0 s11, $0x3  }
0x1d: {  	s20 =	sshll.u32 @!p0 s10, $0x3;
	s19 =	smul.u32 @!p0 $0xC00, s19  }
0x1e: {  	s21 =	sshll.u32 @!p0 s11, $0x7;
	s20 =	sand.u32 @!p0 $0xFFFFFC00, s20  }
0x1f: {  	s19 =	sadd.s32 @!p0 s19, s20;
	s20 =	sand.u32 @!p0 $0x380, s21  }
0x20: {  	s21 =	sand.u32 @!p0 $0x7F, s10;
	s19 =	sor.u32 @!p0 s20, s19  }
0x21: {  	s20 =	sor.u32 @!p0 s21, s19  }
0x22: {  	s21 =	smulhi.u32 @!p0 $0xAAAAAAAB, s20  }
0x23: {  	s19 =	smulhi.u32 @!p0 $0xAAAAAAAB, s19  }
0x24: {  	s31 =	sadd.s32 $0xFFFFFFFF, s14;
	s23 =	smul.u32 @!p0 $0x12000, s13;
	s21 =	sshrl.u32 @!p0 s21, $0x8  }
0x25: {  	s22 =	sxor.u32 @!p0 $0xFFFFFFFF, s14;
	s19 =	sshrl.u32 @!p0 s19, $0x8;
	s21 =	smul.u32 @!p0 $0x180, s21  }
0x26: {  	s24 =	smul.u32 @!p0 $0xC00, s12;
	s22 =	sshll.u32 @!p0 s22, $0xE;
	s19 =	sand.u32 @!p0 $0x3F, s19  }
0x27: {  	s19 =	smul.u32 @!p0 $0x30, s19;
	s20 =	ssub.s32 @!p0 s20, s21;
	s21 =	sadd.s32 @!p0 s6, s23  }
0x28: {  	s22 =	sand.u32 @!p0 $0x4000, s22;
	s21 =	sadd.s32 @!p0 s24, s21;
	s23 =	sand.u32 @!p0 $0x7, s20  }
0x29: {  	s20 =	sshrl.u32 @!p0 s20, $0x3;
	s19 =	sadd.s32 @!p0 s19, s21;
	s21 =	sshll.u32 @!p0 s23, $0x12  }
0x2a: {  	s19 =	sadd.s32 @!p0 s20, s19;
	s20 =	sor.u32 @!p0 $0x400, s21;
	s21 =	simm.s32 @!p0 $0xC00  }
0x2b: {  	[tilespmem:s22], [sflag:$0x1] =	stream.strided.gather @!p0 [hbm4b:s19+s20], $0x4000, s21, s20, $0x38;
	[tilespmem:$0x10000] =	vst v63  }
0x2c: {  	p0 =	sge.u32 s31, s5  }
.Ltmp2:
0x2d: {  	_ = 	snop;
	(pc) =	sbr.rel @p0 .LBB1_7-.Ltmp2, $1  }
0x2e: {  	_ =	sdelay $0x3  }
0x2f: {  	s19 =	sshll.u32 s9, $0x2  }
0x30: {  	_ =	swait.ge [sflag:s4], $0x4000;
	s20 =	sshll.u32 s14, $0xE;
	s22 =	simm.s32 $0x0  }
0x31: {  	p1 =	por $0x1, $0x1;
	s19 =	sand.u32 $0x10000, s19;
	[sflag:s4] =	ssyncset.done $0x0  }
0x32: {  	s20 =	sand.u32 $0x4000, s20;
	s21 =	sshrl.u32 s19, $0x2;
	[sflag:s4] =	ssyncadd.s32 $0xFFFFC000  }
0x33: {  	s19 =	sor.u32 $0x8000, s20;
	s20 =	sadd.s32 $0x8040, s21;
	s21 =	sadd.s32 $0x40, s21  }
.LBB1_3:
0x34: {  	s23 =	sshll.u32 s22, $0xD  }
0x35: {  	s23 =	sand.u32 $0x3FFFE000, s23  }
0x36: {  	s23 =	sadd.s32 s23, s21  }
0x37: {  	v0 =	vmov s23;
	_ =	sdelay $0x4  }
0x38: {  	v6 =	vld.idx.msk [tilespmem:v0+s25+$0x30 ss:$0x1], $0xffff  }
0x39: {  	v7 =	vld.idx.msk [tilespmem:v0+s25+$0xFFFFFFC0 ss:$0x1], $0xffff  }
0x3a: {  	v1 =	vld.idx.msk [tilespmem:v0+s25+$0xFFFFFFD0 ss:$0x1], $0xffff  }
0x3b: {  	s31 =	sshll.u32 s22, $0x7;
	v2 =	vld.idx.msk [tilespmem:v0+s25+$0xFFFFFFE0 ss:$0x1], $0xffff  }
0x3c: {  	s22 =	sand.u32 $0x3FFFFF80, s31;
	v3 =	vld.idx.msk [tilespmem:v0+s25+$0xFFFFFFF0 ss:$0x1], $0xffff  }
0x3d: {  	s22 =	sadd.s32 s22, s20;
	v4 =	vld.idx.msk [tilespmem:v0+s25+$0x0 ss:$0x1], $0xffff  }
0x3e: {  	v5 =	vld.idx.msk [tilespmem:v0+s25+$0x10 ss:$0x1], $0xffff;
	[tilespmem:s22+$0x30] =	vst v6  }
0x3f: {  	p0 =	por p1, p1;
	s24 =	simm.s32 $0x400;
	s23 =	simm.s32 $0x80;
	[tilespmem:s22+$0xFFFFFFC0] =	vst v7;
	v6 =	vld.idx.msk [tilespmem:v0+s25+$0x20 ss:$0x1], $0xffff  }
.LBB1_4:
0x40: {  	p1 =	sne.s32 s24, $0x7E00;
	v7 =	vld.idx.msk [tilespmem:v0+s23+$0x30 ss:$0x1], $0xffff;
	[tilespmem:s22+$0xFFFFFFD0] =	vst v1  }
0x41: {  	v8 =	vld.idx.msk [tilespmem:v0+s23+$0xFFFFFFC0 ss:$0x1], $0xffff;
	[tilespmem:s22+$0xFFFFFFE0] =	vst v2  }
0x42: {  	v1 =	vld.idx.msk [tilespmem:v0+s23+$0xFFFFFFD0 ss:$0x1], $0xffff;
	[tilespmem:s22+$0xFFFFFFF0] =	vst v3  }
.Ltmp3:
0x43: {  	v2 =	vld.idx.msk [tilespmem:v0+s23+$0xFFFFFFE0 ss:$0x1], $0xffff;
	[tilespmem:s22+$0x0] =	vst v4;
	(pc) =	sbr.rel @p1 .LBB1_4-.Ltmp3, $4  }
0x44: {  	v3 =	vld.idx.msk [tilespmem:v0+s23+$0xFFFFFFF0 ss:$0x1], $0xffff;
	[tilespmem:s22+$0x10] =	vst v5  }
0x45: {  	v4 =	vld.idx.msk [tilespmem:v0+s23+$0x0 ss:$0x1], $0xffff;
	[tilespmem:s22+$0x20] =	vst v6;
	s22 =	sadd.s32 $0x100, s22  }
0x46: {  	v5 =	vld.idx.msk [tilespmem:v0+s23+$0x10 ss:$0x1], $0xffff;
	[tilespmem:s22+$0x30] =	vst v7  }
0x47: {  	[tilespmem:s22+$0xFFFFFFC0] =	vst v8;
	v6 =	vld.idx.msk [tilespmem:v0+s23+$0x20 ss:$0x1], $0xffff;
	s23 =	sshra.s32 s24, $0x2;
	s24 =	sadd.s32 $0x200, s24  }
0x48: {  	_ =	sdelay $0x2  }
0x49: {  	[tilespmem:s22+$0xFFFFFFD0] =	vst v1  }
0x4a: {  	v56 =	vld.idx.msk [tilespmem:v0+s23+$0x30 ss:$0x1], $0xffff;
	[tilespmem:s22+$0xFFFFFFE0] =	vst v2  }
0x4b: {  	v57 =	vld.idx.msk [tilespmem:v0+s23+$0xFFFFFFC0 ss:$0x1], $0xffff;
	[tilespmem:s22+$0xFFFFFFF0] =	vst v3  }
0x4c: {  	v58 =	vld.idx.msk [tilespmem:v0+s23+$0xFFFFFFD0 ss:$0x1], $0xffff;
	[tilespmem:s22+$0x0] =	vst v4  }
0x4d: {  	v59 =	vld.idx.msk [tilespmem:v0+s23+$0xFFFFFFE0 ss:$0x1], $0xffff;
	[tilespmem:s22+$0x10] =	vst v5  }
0x4e: {  	v60 =	vld.idx.msk [tilespmem:v0+s23+$0xFFFFFFF0 ss:$0x1], $0xffff;
	s31 =	sadd.s32 $0x100, s22;
	[tilespmem:s22+$0x20] =	vst v6  }
0x4f: {  	v61 =	vld.idx.msk [tilespmem:v0+s23+$0x0 ss:$0x1], $0xffff;
	[tilespmem:s31+$0x30] =	vst v56  }
0x50: {  	v62 =	vld.idx.msk [tilespmem:v0+s23+$0x10 ss:$0x1], $0xffff;
	[tilespmem:s31+$0xFFFFFFC0] =	vst v57  }
0x51: {  	v63 =	vld.idx.msk [tilespmem:v0+s23+$0x20 ss:$0x1], $0xffff;
	[tilespmem:s31+$0xFFFFFFD0] =	vst v58  }
.Ltmp4:
0x52: {  	[tilespmem:s31+$0xFFFFFFE0] =	vst v59;
	(pc) =	sbr.rel @p0 .LBB1_3-.Ltmp4, $4  }
0x53: {  	[tilespmem:s31+$0xFFFFFFF0] =	vst v60  }
0x54: {  	[tilespmem:s31+$0x0] =	vst v61  }
0x55: {  	[tilespmem:s31+$0x10] =	vst v62  }
0x56: {  	p1 =	por $0x0, $0x0;
	s22 =	simm.s32 $0x1;
	[tilespmem:s31+$0x20] =	vst v63  }
0x57: {  	s20 =	sshrl.u32 s18, $0x3  }
0x58: {  	s21 =	sshll.u32 s17, $0x3;
	s20 =	smul.u32 $0xC00, s20  }
0x59: {  	s27 =	sshll.u32 s18, $0x7;
	s21 =	sand.u32 $0xFFFFFC00, s21  }
0x5a: {  	s18 =	sand.u32 $0x380, s27;
	s20 =	sadd.s32 s20, s21  }
0x5b: {  	s28 =	sand.u32 $0x7F, s17;
	s18 =	sor.u32 s18, s20  }
0x5c: {  	s17 =	sor.u32 s28, s18;
	s18 =	smulhi.u32 $0xAAAAAAAB, s18;
	_ =	sdelay $0x1  }
0x5d: {  	s16 =	smul.u32 $0x480, s16;
	s18 =	sshrl.u32 s18, $0x8  }
0x5e: {  	s30 =	smulhi.u32 $0xAAAAAAB, s18  }
0x5f: {  	s29 =	smulhi.u32 $0xAAAAAAAB, s17  }
0x60: {  	s21 =	smul.u32 $0x18, s30  }
0x61: {  	s15 =	smul.u32 $0x6C00, s15;
	s20 =	sshrl.u32 s29, $0x8  }
0x62: {  	s20 =	smul.u32 $0x180, s20;
	s18 =	ssub.s32 s18, s21  }
0x63: {  	s18 =	smul.u32 $0x30, s18  }
.Ltmp5:
0x64: {  	s16 =	sadd.s32 s3, s16;
	s17 =	ssub.s32 s17, s20;
	(pc) =	sbr.rel .LBB1_7-.Ltmp5, $4  }
0x65: {  	s15 =	sadd.s32 s15, s16;
	s31 =	sand.u32 $0x7, s17  }
0x66: {  	s17 =	sshrl.u32 s17, $0x3;
	s16 =	sshll.u32 s31, $0x12;
	s15 =	sadd.s32 s18, s15  }
0x67: {  	s16 =	sor.u32 $0x100, s16;
	s15 =	sadd.s32 s17, s15  }
0x68: {  	[hbm4b:s15+s16] =	stream.strided.scatter [tilespmem:s19], [sflag:$0x2], $0x4000, s8, s16, $0x38;
	[tilespmem:$0x10000] =	vst v63  }
.LBB1_8:
0x69: {  	_ =	sfence.sel $0x180000  }
0x6a: {  	s2 =	simm.s32 $0x1;
	[bflag:$0x0] =	sbarrier.arrive $0xFFFF  }
0x6b: {  	s31 =	simm.s32 $0x2;
	[sflag:s2] =	ssyncpa.u1 $0x1  }
0x6c: {  	[sflag:s31] =	ssyncpa.u1 $0x1  }
0x6d: {  	p0 =	sne.s32 s0, $0x0;
	_ =	strace $0x9000004D  }
0x6e: {  	s0 =	sadd.s32 @!p0 $0x100000, s1;
	[bflag:$0x2] =	sbarrier.arrive $0xFFFF  }
0x6f: {  	[sflag:s0] =	ssyncadd.tile.s32 @!p0 $0x1;
	_ =	shalt  }
.Lfunc_end1:
_tile_overlayer_lowered:
.L_overlay_start_2:
0x70: {  	(tag) =	ssettag $0x2  }
0x71: {  	s0 =	rddreg [dreg:$0x0];
	s2 =	stileid.u32  }
0x72: {  	s1 =	rddreg [dreg:$0x1];
	p0 =	sne.s32 s2, $0x0  }
0x73: {  	s3 =	rddreg [dreg:$0x2];
	[bflag:$0x3] =	sbarrier.arrive $0xFFFF;
	s2 =	simm.s32 @!p0 $0x1C01  }
0x74: {  	[timem:s3], [sflag:s2] =	dma.local @!p0 [hbm:s0], s1  }
0x75: {  	s0 =	simm.s32 @!p0 $0x1  }
0x76: {  	_ =	swait.ge @!p0 [sflag:s0], s1  }
0x77: {  	s1 =	ssub.s32 @!p0 $0x0, s1;
	[sflag:s0] =	ssyncset.done @!p0 $0x0  }
0x78: {  	[sflag:s0] =	ssyncadd.s32 @!p0 s1  }
0x79: {  	[bflag:$0x3] =	sbarrier.arrive $0xFFFF  }
0x7a: {  	_ =	shalt  }

</sc_bundles>
